<compile_context>
chip_gen: v7x
topology: tpu7x:2x2x1
jax: 0.10.2.dev20260603
libtpu: 0.0.44.dev20260713+nightly
codegen_flags: <defaults>
</compile_context>

<pallas_src>
import functools
import jax
import jax.numpy as jnp
from jax import lax
from jax.experimental import pallas as pl
from jax.experimental.pallas import tpu as pltpu
from jax.experimental.pallas import tpu_sc as plsc


def _gcn_body(adj_ref, x_ref, w_ref, b_ref, o_ref):
    ax = jnp.dot(adj_ref[...], x_ref[...],
                 preferred_element_type=jnp.float32)
    o_ref[...] = jnp.dot(ax, w_ref[...],
                         preferred_element_type=jnp.float32) + b_ref[...]


_ROWS_PER_W = 40
_CHUNK = 4


def _sc_stream_body(adj_hbm, out_hbm, buf0, buf1, sem0, sem1):
    info = plsc.get_sparse_core_info()
    nc = info.num_cores
    wid = lax.axis_index("s") * nc + lax.axis_index("c")
    base = wid * _ROWS_PER_W
    bufs = (buf0, buf1)
    sems = (sem0, sem1)
    n_chunks = _ROWS_PER_W // _CHUNK
    for c in range(n_chunks):
        cp = pltpu.make_async_copy(
            adj_hbm.at[pl.ds(base + c * _CHUNK, _CHUNK), :],
            bufs[c % 2], sems[c % 2])
        cp.start()
        if c >= 1:
            pltpu.make_async_copy(
                adj_hbm.at[pl.ds(base + (c - 1) * _CHUNK, _CHUNK), :],
                bufs[(c - 1) % 2], sems[(c - 1) % 2]).wait()
    pltpu.make_async_copy(
        adj_hbm.at[pl.ds(base + (n_chunks - 1) * _CHUNK, _CHUNK), :],
        bufs[(n_chunks - 1) % 2], sems[(n_chunks - 1) % 2]).wait()
    pltpu.sync_copy(buf0.at[0, pl.ds(0, 16)], out_hbm.at[wid])


def kernel(input, adj, weight, bias):
    n, d_in = input.shape
    d_out = weight.shape[1]

    mesh = plsc.VectorSubcoreMesh(core_axis_name="c", subcore_axis_name="s")
    sc_probe = functools.partial(
        pl.kernel,
        mesh=mesh,
        out_type=jax.ShapeDtypeStruct((32, 16), jnp.float32),
        scratch_types=[
            pltpu.VMEM((_CHUNK, n), jnp.float32),
            pltpu.VMEM((_CHUNK, n), jnp.float32),
            pltpu.SemaphoreType.DMA,
            pltpu.SemaphoreType.DMA,
        ],
    )(_sc_stream_body)
    dummy = sc_probe(adj)

    tm = 400
    out = pl.pallas_call(
        _gcn_body,
        grid=(n // tm,),
        in_specs=[
            pl.BlockSpec((tm, n), lambda i: (i, 0)),
            pl.BlockSpec((n, d_in), lambda i: (0, 0)),
            pl.BlockSpec((d_in, d_out), lambda i: (0, 0)),
            pl.BlockSpec((1, d_out), lambda i: (0, 0)),
        ],
        out_specs=pl.BlockSpec((tm, d_out), lambda i: (i, 0)),
        out_shape=jax.ShapeDtypeStruct((n, d_out), jnp.float32),
        compiler_params=pltpu.CompilerParams(
            dimension_semantics=("parallel",)),
    )(adj, input, weight, bias.reshape(1, d_out))
    return out, dummy

# --- scband reference (transcript-rebuilt; emitter-appended) ---
"""Pipeline reference for scband-graph-convolution-49074296324789 (READ-ONLY COPY).

The authoritative reference and input builder live on the scoring server;
editing this copy changes nothing except your own understanding.
"""

import jax, jax.numpy as jnp
import numpy as np

N = 10000
D_IN = 128
D_OUT = 128


def setup_inputs(seed: int = 0) -> dict:
    key = jax.random.key(seed)
    k1, k2, k3, k4 = jax.random.split(key, 4)
    inp = jax.random.normal(k1, (N, D_IN), dtype=jnp.float32)
    adj = jax.random.uniform(k2, (N, N), dtype=jnp.float32)
    weight = jax.random.normal(k3, (D_IN, D_OUT), dtype=jnp.float32)
    bias = jax.random.normal(k4, (D_OUT,), dtype=jnp.float32)
    return {"input": inp, "adj": adj, "weight": weight, "bias": bias}


def reference(input, adj, weight, bias):
    # support = input @ weight  (dense feature transform)
    support = jnp.matmul(input, weight)
    # output = spmm(adj, support) -> adjacency aggregation
    output = jnp.matmul(adj, support)
    return output + bias

if __name__ == "__main__":
    import jax
    _d = setup_inputs()
    print(jax.jit(kernel)(*tuple(_d.values())))

</pallas_src>

<mosaic_0001>
#map = affine_map<(d0, d1) -> (0, 0)>
module attributes {stable_mosaic.version = 14 : i64} {
  func.func @_sc_stream_body(%arg0: i32, %arg1: i32, %arg2: memref<10000x10000xf32, #tpu.memory_space<hbm>>, %arg3: memref<32x16xf32, #tpu.memory_space<hbm>>, %arg4: memref<4x10000xf32, #tpu.memory_space<vmem>>, %arg5: memref<4x10000xf32, #tpu.memory_space<vmem>>, %arg6: memref<!tpu.dma_semaphore, #tpu.memory_space<semaphore_mem>>, %arg7: memref<!tpu.dma_semaphore, #tpu.memory_space<semaphore_mem>>) attributes {dimension_semantics = [#tpu.dimension_semantics<core_parallel>, #tpu.dimension_semantics<subcore_parallel>], iteration_bounds = array<i64: 2, 16>, scalar_prefetch = 0 : i64, scratch_operands = 4 : i64, tpu.core_type = #tpu.core_type<sc_vector_subcore>, window_params = [{transform_indices = #map}, {transform_indices = #map}]} {
    %mul3A = arith.constant 2 : i32
    %mul3A_0 = arith.muli %arg1, %mul3A : i32
    %add3A = arith.addi %mul3A_0, %arg0 : i32
    %mul3A_1 = arith.constant 40 : i32
    %mul3A_2 = arith.muli %add3A, %mul3A_1 : i32
    %add3A_3 = arith.constant 0 : i32
    %add3A_4 = arith.addi %mul3A_2, %add3A_3 : i32
    %dma_start3A = arith.constant 0 : i32
    %dma_start3A_5 = tpu.memref_slice %arg2[%add3A_4, %dma_start3A] : memref<10000x10000xf32, #tpu.memory_space<hbm>> -> memref<4x10000xf32, #tpu.memory_space<hbm>>
    %dma_start3A_6 = arith.constant 0 : i32
    %dma_start3A_7 = tpu.memref_slice %arg2[%add3A_4, %dma_start3A_6] : memref<10000x10000xf32, #tpu.memory_space<hbm>> -> memref<4x10000xf32, #tpu.memory_space<hbm>>
    tpu.enqueue_dma source(%dma_start3A_7 : memref<4x10000xf32, #tpu.memory_space<hbm>>) target(%arg4 : memref<4x10000xf32, #tpu.memory_space<vmem>>) target_semaphore(%arg6 : memref<!tpu.dma_semaphore, #tpu.memory_space<semaphore_mem>>)
    %add3A_8 = arith.constant 4 : i32
    %add3A_9 = arith.addi %mul3A_2, %add3A_8 : i32
    %dma_start3A_10 = arith.constant 0 : i32
    %dma_start3A_11 = tpu.memref_slice %arg2[%add3A_9, %dma_start3A_10] : memref<10000x10000xf32, #tpu.memory_space<hbm>> -> memref<4x10000xf32, #tpu.memory_space<hbm>>
    %dma_start3A_12 = arith.constant 0 : i32
    %dma_start3A_13 = tpu.memref_slice %arg2[%add3A_9, %dma_start3A_12] : memref<10000x10000xf32, #tpu.memory_space<hbm>> -> memref<4x10000xf32, #tpu.memory_space<hbm>>
    tpu.enqueue_dma source(%dma_start3A_13 : memref<4x10000xf32, #tpu.memory_space<hbm>>) target(%arg5 : memref<4x10000xf32, #tpu.memory_space<vmem>>) target_semaphore(%arg7 : memref<!tpu.dma_semaphore, #tpu.memory_space<semaphore_mem>>)
    %add3A_14 = arith.constant 0 : i32
    %add3A_15 = arith.addi %mul3A_2, %add3A_14 : i32
    %dma_wait3A = arith.constant 0 : i32
    %dma_wait3A_16 = tpu.memref_slice %arg2[%add3A_15, %dma_wait3A] : memref<10000x10000xf32, #tpu.memory_space<hbm>> -> memref<4x10000xf32, #tpu.memory_space<hbm>>
    %dma_wait3A_17 = arith.constant 0 : i32
    %dma_wait3A_18 = tpu.memref_slice %arg2[%add3A_15, %dma_wait3A_17] : memref<10000x10000xf32, #tpu.memory_space<hbm>> -> memref<4x10000xf32, #tpu.memory_space<hbm>>
    tpu.wait_dma2 semaphore(%arg6 : memref<!tpu.dma_semaphore, #tpu.memory_space<semaphore_mem>>) src(%dma_wait3A_18 : memref<4x10000xf32, #tpu.memory_space<hbm>>) dst(%arg4 : memref<4x10000xf32, #tpu.memory_space<vmem>>)
    %add3A_19 = arith.constant 8 : i32
    %add3A_20 = arith.addi %mul3A_2, %add3A_19 : i32
    %dma_start3A_21 = arith.constant 0 : i32
    %dma_start3A_22 = tpu.memref_slice %arg2[%add3A_20, %dma_start3A_21] : memref<10000x10000xf32, #tpu.memory_space<hbm>> -> memref<4x10000xf32, #tpu.memory_space<hbm>>
    %dma_start3A_23 = arith.constant 0 : i32
    %dma_start3A_24 = tpu.memref_slice %arg2[%add3A_20, %dma_start3A_23] : memref<10000x10000xf32, #tpu.memory_space<hbm>> -> memref<4x10000xf32, #tpu.memory_space<hbm>>
    tpu.enqueue_dma source(%dma_start3A_24 : memref<4x10000xf32, #tpu.memory_space<hbm>>) target(%arg4 : memref<4x10000xf32, #tpu.memory_space<vmem>>) target_semaphore(%arg6 : memref<!tpu.dma_semaphore, #tpu.memory_space<semaphore_mem>>)
    %add3A_25 = arith.constant 4 : i32
    %add3A_26 = arith.addi %mul3A_2, %add3A_25 : i32
    %dma_wait3A_27 = arith.constant 0 : i32
    %dma_wait3A_28 = tpu.memref_slice %arg2[%add3A_26, %dma_wait3A_27] : memref<10000x10000xf32, #tpu.memory_space<hbm>> -> memref<4x10000xf32, #tpu.memory_space<hbm>>
    %dma_wait3A_29 = arith.constant 0 : i32
    %dma_wait3A_30 = tpu.memref_slice %arg2[%add3A_26, %dma_wait3A_29] : memref<10000x10000xf32, #tpu.memory_space<hbm>> -> memref<4x10000xf32, #tpu.memory_space<hbm>>
    tpu.wait_dma2 semaphore(%arg7 : memref<!tpu.dma_semaphore, #tpu.memory_space<semaphore_mem>>) src(%dma_wait3A_30 : memref<4x10000xf32, #tpu.memory_space<hbm>>) dst(%arg5 : memref<4x10000xf32, #tpu.memory_space<vmem>>)
    %add3A_31 = arith.constant 12 : i32
    %add3A_32 = arith.addi %mul3A_2, %add3A_31 : i32
    %dma_start3A_33 = arith.constant 0 : i32
    %dma_start3A_34 = tpu.memref_slice %arg2[%add3A_32, %dma_start3A_33] : memref<10000x10000xf32, #tpu.memory_space<hbm>> -> memref<4x10000xf32, #tpu.memory_space<hbm>>
    %dma_start3A_35 = arith.constant 0 : i32
    %dma_start3A_36 = tpu.memref_slice %arg2[%add3A_32, %dma_start3A_35] : memref<10000x10000xf32, #tpu.memory_space<hbm>> -> memref<4x10000xf32, #tpu.memory_space<hbm>>
    tpu.enqueue_dma source(%dma_start3A_36 : memref<4x10000xf32, #tpu.memory_space<hbm>>) target(%arg5 : memref<4x10000xf32, #tpu.memory_space<vmem>>) target_semaphore(%arg7 : memref<!tpu.dma_semaphore, #tpu.memory_space<semaphore_mem>>)
    %add3A_37 = arith.constant 8 : i32
    %add3A_38 = arith.addi %mul3A_2, %add3A_37 : i32
    %dma_wait3A_39 = arith.constant 0 : i32
    %dma_wait3A_40 = tpu.memref_slice %arg2[%add3A_38, %dma_wait3A_39] : memref<10000x10000xf32, #tpu.memory_space<hbm>> -> memref<4x10000xf32, #tpu.memory_space<hbm>>
    %dma_wait3A_41 = arith.constant 0 : i32
    %dma_wait3A_42 = tpu.memref_slice %arg2[%add3A_38, %dma_wait3A_41] : memref<10000x10000xf32, #tpu.memory_space<hbm>> -> memref<4x10000xf32, #tpu.memory_space<hbm>>
    tpu.wait_dma2 semaphore(%arg6 : memref<!tpu.dma_semaphore, #tpu.memory_space<semaphore_mem>>) src(%dma_wait3A_42 : memref<4x10000xf32, #tpu.memory_space<hbm>>) dst(%arg4 : memref<4x10000xf32, #tpu.memory_space<vmem>>)
    %add3A_43 = arith.constant 16 : i32
    %add3A_44 = arith.addi %mul3A_2, %add3A_43 : i32
    %dma_start3A_45 = arith.constant 0 : i32
    %dma_start3A_46 = tpu.memref_slice %arg2[%add3A_44, %dma_start3A_45] : memref<10000x10000xf32, #tpu.memory_space<hbm>> -> memref<4x10000xf32, #tpu.memory_space<hbm>>
    %dma_start3A_47 = arith.constant 0 : i32
    %dma_start3A_48 = tpu.memref_slice %arg2[%add3A_44, %dma_start3A_47] : memref<10000x10000xf32, #tpu.memory_space<hbm>> -> memref<4x10000xf32, #tpu.memory_space<hbm>>
    tpu.enqueue_dma source(%dma_start3A_48 : memref<4x10000xf32, #tpu.memory_space<hbm>>) target(%arg4 : memref<4x10000xf32, #tpu.memory_space<vmem>>) target_semaphore(%arg6 : memref<!tpu.dma_semaphore, #tpu.memory_space<semaphore_mem>>)
    %add3A_49 = arith.constant 12 : i32
    %add3A_50 = arith.addi %mul3A_2, %add3A_49 : i32
    %dma_wait3A_51 = arith.constant 0 : i32
    %dma_wait3A_52 = tpu.memref_slice %arg2[%add3A_50, %dma_wait3A_51] : memref<10000x10000xf32, #tpu.memory_space<hbm>> -> memref<4x10000xf32, #tpu.memory_space<hbm>>
    %dma_wait3A_53 = arith.constant 0 : i32
    %dma_wait3A_54 = tpu.memref_slice %arg2[%add3A_50, %dma_wait3A_53] : memref<10000x10000xf32, #tpu.memory_space<hbm>> -> memref<4x10000xf32, #tpu.memory_space<hbm>>
    tpu.wait_dma2 semaphore(%arg7 : memref<!tpu.dma_semaphore, #tpu.memory_space<semaphore_mem>>) src(%dma_wait3A_54 : memref<4x10000xf32, #tpu.memory_space<hbm>>) dst(%arg5 : memref<4x10000xf32, #tpu.memory_space<vmem>>)
    %add3A_55 = arith.constant 20 : i32
    %add3A_56 = arith.addi %mul3A_2, %add3A_55 : i32
    %dma_start3A_57 = arith.constant 0 : i32
    %dma_start3A_58 = tpu.memref_slice %arg2[%add3A_56, %dma_start3A_57] : memref<10000x10000xf32, #tpu.memory_space<hbm>> -> memref<4x10000xf32, #tpu.memory_space<hbm>>
    %dma_start3A_59 = arith.constant 0 : i32
    %dma_start3A_60 = tpu.memref_slice %arg2[%add3A_56, %dma_start3A_59] : memref<10000x10000xf32, #tpu.memory_space<hbm>> -> memref<4x10000xf32, #tpu.memory_space<hbm>>
    tpu.enqueue_dma source(%dma_start3A_60 : memref<4x10000xf32, #tpu.memory_space<hbm>>) target(%arg5 : memref<4x10000xf32, #tpu.memory_space<vmem>>) target_semaphore(%arg7 : memref<!tpu.dma_semaphore, #tpu.memory_space<semaphore_mem>>)
    %add3A_61 = arith.constant 16 : i32
    %add3A_62 = arith.addi %mul3A_2, %add3A_61 : i32
    %dma_wait3A_63 = arith.constant 0 : i32
    %dma_wait3A_64 = tpu.memref_slice %arg2[%add3A_62, %dma_wait3A_63] : memref<10000x10000xf32, #tpu.memory_space<hbm>> -> memref<4x10000xf32, #tpu.memory_space<hbm>>
    %dma_wait3A_65 = arith.constant 0 : i32
    %dma_wait3A_66 = tpu.memref_slice %arg2[%add3A_62, %dma_wait3A_65] : memref<10000x10000xf32, #tpu.memory_space<hbm>> -> memref<4x10000xf32, #tpu.memory_space<hbm>>
    tpu.wait_dma2 semaphore(%arg6 : memref<!tpu.dma_semaphore, #tpu.memory_space<semaphore_mem>>) src(%dma_wait3A_66 : memref<4x10000xf32, #tpu.memory_space<hbm>>) dst(%arg4 : memref<4x10000xf32, #tpu.memory_space<vmem>>)
    %add3A_67 = arith.constant 24 : i32
    %add3A_68 = arith.addi %mul3A_2, %add3A_67 : i32
    %dma_start3A_69 = arith.constant 0 : i32
    %dma_start3A_70 = tpu.memref_slice %arg2[%add3A_68, %dma_start3A_69] : memref<10000x10000xf32, #tpu.memory_space<hbm>> -> memref<4x10000xf32, #tpu.memory_space<hbm>>
    %dma_start3A_71 = arith.constant 0 : i32
    %dma_start3A_72 = tpu.memref_slice %arg2[%add3A_68, %dma_start3A_71] : memref<10000x10000xf32, #tpu.memory_space<hbm>> -> memref<4x10000xf32, #tpu.memory_space<hbm>>
    tpu.enqueue_dma source(%dma_start3A_72 : memref<4x10000xf32, #tpu.memory_space<hbm>>) target(%arg4 : memref<4x10000xf32, #tpu.memory_space<vmem>>) target_semaphore(%arg6 : memref<!tpu.dma_semaphore, #tpu.memory_space<semaphore_mem>>)
    %add3A_73 = arith.constant 20 : i32
    %add3A_74 = arith.addi %mul3A_2, %add3A_73 : i32
    %dma_wait3A_75 = arith.constant 0 : i32
    %dma_wait3A_76 = tpu.memref_slice %arg2[%add3A_74, %dma_wait3A_75] : memref<10000x10000xf32, #tpu.memory_space<hbm>> -> memref<4x10000xf32, #tpu.memory_space<hbm>>
    %dma_wait3A_77 = arith.constant 0 : i32
    %dma_wait3A_78 = tpu.memref_slice %arg2[%add3A_74, %dma_wait3A_77] : memref<10000x10000xf32, #tpu.memory_space<hbm>> -> memref<4x10000xf32, #tpu.memory_space<hbm>>
    tpu.wait_dma2 semaphore(%arg7 : memref<!tpu.dma_semaphore, #tpu.memory_space<semaphore_mem>>) src(%dma_wait3A_78 : memref<4x10000xf32, #tpu.memory_space<hbm>>) dst(%arg5 : memref<4x10000xf32, #tpu.memory_space<vmem>>)
    %add3A_79 = arith.constant 28 : i32
    %add3A_80 = arith.addi %mul3A_2, %add3A_79 : i32
    %dma_start3A_81 = arith.constant 0 : i32
    %dma_start3A_82 = tpu.memref_slice %arg2[%add3A_80, %dma_start3A_81] : memref<10000x10000xf32, #tpu.memory_space<hbm>> -> memref<4x10000xf32, #tpu.memory_space<hbm>>
    %dma_start3A_83 = arith.constant 0 : i32
    %dma_start3A_84 = tpu.memref_slice %arg2[%add3A_80, %dma_start3A_83] : memref<10000x10000xf32, #tpu.memory_space<hbm>> -> memref<4x10000xf32, #tpu.memory_space<hbm>>
    tpu.enqueue_dma source(%dma_start3A_84 : memref<4x10000xf32, #tpu.memory_space<hbm>>) target(%arg5 : memref<4x10000xf32, #tpu.memory_space<vmem>>) target_semaphore(%arg7 : memref<!tpu.dma_semaphore, #tpu.memory_space<semaphore_mem>>)
    %add3A_85 = arith.constant 24 : i32
    %add3A_86 = arith.addi %mul3A_2, %add3A_85 : i32
    %dma_wait3A_87 = arith.constant 0 : i32
    %dma_wait3A_88 = tpu.memref_slice %arg2[%add3A_86, %dma_wait3A_87] : memref<10000x10000xf32, #tpu.memory_space<hbm>> -> memref<4x10000xf32, #tpu.memory_space<hbm>>
    %dma_wait3A_89 = arith.constant 0 : i32
    %dma_wait3A_90 = tpu.memref_slice %arg2[%add3A_86, %dma_wait3A_89] : memref<10000x10000xf32, #tpu.memory_space<hbm>> -> memref<4x10000xf32, #tpu.memory_space<hbm>>
    tpu.wait_dma2 semaphore(%arg6 : memref<!tpu.dma_semaphore, #tpu.memory_space<semaphore_mem>>) src(%dma_wait3A_90 : memref<4x10000xf32, #tpu.memory_space<hbm>>) dst(%arg4 : memref<4x10000xf32, #tpu.memory_space<vmem>>)
    %add3A_91 = arith.constant 32 : i32
    %add3A_92 = arith.addi %mul3A_2, %add3A_91 : i32
    %dma_start3A_93 = arith.constant 0 : i32
    %dma_start3A_94 = tpu.memref_slice %arg2[%add3A_92, %dma_start3A_93] : memref<10000x10000xf32, #tpu.memory_space<hbm>> -> memref<4x10000xf32, #tpu.memory_space<hbm>>
    %dma_start3A_95 = arith.constant 0 : i32
    %dma_start3A_96 = tpu.memref_slice %arg2[%add3A_92, %dma_start3A_95] : memref<10000x10000xf32, #tpu.memory_space<hbm>> -> memref<4x10000xf32, #tpu.memory_space<hbm>>
    tpu.enqueue_dma source(%dma_start3A_96 : memref<4x10000xf32, #tpu.memory_space<hbm>>) target(%arg4 : memref<4x10000xf32, #tpu.memory_space<vmem>>) target_semaphore(%arg6 : memref<!tpu.dma_semaphore, #tpu.memory_space<semaphore_mem>>)
    %add3A_97 = arith.constant 28 : i32
    %add3A_98 = arith.addi %mul3A_2, %add3A_97 : i32
    %dma_wait3A_99 = arith.constant 0 : i32
    %dma_wait3A_100 = tpu.memref_slice %arg2[%add3A_98, %dma_wait3A_99] : memref<10000x10000xf32, #tpu.memory_space<hbm>> -> memref<4x10000xf32, #tpu.memory_space<hbm>>
    %dma_wait3A_101 = arith.constant 0 : i32
    %dma_wait3A_102 = tpu.memref_slice %arg2[%add3A_98, %dma_wait3A_101] : memref<10000x10000xf32, #tpu.memory_space<hbm>> -> memref<4x10000xf32, #tpu.memory_space<hbm>>
    tpu.wait_dma2 semaphore(%arg7 : memref<!tpu.dma_semaphore, #tpu.memory_space<semaphore_mem>>) src(%dma_wait3A_102 : memref<4x10000xf32, #tpu.memory_space<hbm>>) dst(%arg5 : memref<4x10000xf32, #tpu.memory_space<vmem>>)
    %add3A_103 = arith.constant 36 : i32
    %add3A_104 = arith.addi %mul3A_2, %add3A_103 : i32
    %dma_start3A_105 = arith.constant 0 : i32
    %dma_start3A_106 = tpu.memref_slice %arg2[%add3A_104, %dma_start3A_105] : memref<10000x10000xf32, #tpu.memory_space<hbm>> -> memref<4x10000xf32, #tpu.memory_space<hbm>>
    %dma_start3A_107 = arith.constant 0 : i32
    %dma_start3A_108 = tpu.memref_slice %arg2[%add3A_104, %dma_start3A_107] : memref<10000x10000xf32, #tpu.memory_space<hbm>> -> memref<4x10000xf32, #tpu.memory_space<hbm>>
    tpu.enqueue_dma source(%dma_start3A_108 : memref<4x10000xf32, #tpu.memory_space<hbm>>) target(%arg5 : memref<4x10000xf32, #tpu.memory_space<vmem>>) target_semaphore(%arg7 : memref<!tpu.dma_semaphore, #tpu.memory_space<semaphore_mem>>)
    %add3A_109 = arith.constant 32 : i32
    %add3A_110 = arith.addi %mul3A_2, %add3A_109 : i32
    %dma_wait3A_111 = arith.constant 0 : i32
    %dma_wait3A_112 = tpu.memref_slice %arg2[%add3A_110, %dma_wait3A_111] : memref<10000x10000xf32, #tpu.memory_space<hbm>> -> memref<4x10000xf32, #tpu.memory_space<hbm>>
    %dma_wait3A_113 = arith.constant 0 : i32
    %dma_wait3A_114 = tpu.memref_slice %arg2[%add3A_110, %dma_wait3A_113] : memref<10000x10000xf32, #tpu.memory_space<hbm>> -> memref<4x10000xf32, #tpu.memory_space<hbm>>
    tpu.wait_dma2 semaphore(%arg6 : memref<!tpu.dma_semaphore, #tpu.memory_space<semaphore_mem>>) src(%dma_wait3A_114 : memref<4x10000xf32, #tpu.memory_space<hbm>>) dst(%arg4 : memref<4x10000xf32, #tpu.memory_space<vmem>>)
    %add3A_115 = arith.constant 36 : i32
    %add3A_116 = arith.addi %mul3A_2, %add3A_115 : i32
    %dma_wait3A_117 = arith.constant 0 : i32
    %dma_wait3A_118 = tpu.memref_slice %arg2[%add3A_116, %dma_wait3A_117] : memref<10000x10000xf32, #tpu.memory_space<hbm>> -> memref<4x10000xf32, #tpu.memory_space<hbm>>
    %dma_wait3A_119 = arith.constant 0 : i32
    %dma_wait3A_120 = tpu.memref_slice %arg2[%add3A_116, %dma_wait3A_119] : memref<10000x10000xf32, #tpu.memory_space<hbm>> -> memref<4x10000xf32, #tpu.memory_space<hbm>>
    tpu.wait_dma2 semaphore(%arg7 : memref<!tpu.dma_semaphore, #tpu.memory_space<semaphore_mem>>) src(%dma_wait3A_120 : memref<4x10000xf32, #tpu.memory_space<hbm>>) dst(%arg5 : memref<4x10000xf32, #tpu.memory_space<vmem>>)
    %run_scoped3A = arith.constant 0 : i32
    "tpu.region"() ({
      %run_scoped3A_121 = tpu.sem_alloc : memref<!tpu.dma_semaphore, #tpu.memory_space<semaphore_mem>>
      %dma_start3A_122 = arith.constant 0 : i32
      %dma_start3A_123 = tpu.memref_slice %arg4[%run_scoped3A, %dma_start3A_122] : memref<4x10000xf32, #tpu.memory_space<vmem>> -> memref<1x16xf32, #tpu.memory_space<vmem>>
      %dma_start3A_124 = tpu.memref_squeeze %dma_start3A_123 : memref<1x16xf32, #tpu.memory_space<vmem>> -> memref<16xf32, #tpu.memory_space<vmem>>
      %dma_start3A_125 = arith.constant 0 : i32
      %dma_start3A_126 = tpu.memref_slice %arg3[%add3A, %dma_start3A_125] : memref<32x16xf32, #tpu.memory_space<hbm>> -> memref<1x16xf32, #tpu.memory_space<hbm>>
      %dma_start3A_127 = tpu.memref_squeeze %dma_start3A_126 : memref<1x16xf32, #tpu.memory_space<hbm>> -> memref<16xf32, #tpu.memory_space<hbm>>
      %dma_start3A_128 = arith.constant 0 : i32
      %dma_start3A_129 = tpu.memref_slice %arg3[%add3A, %dma_start3A_128] : memref<32x16xf32, #tpu.memory_space<hbm>> -> memref<1x16xf32, #tpu.memory_space<hbm>>
      %dma_start3A_130 = tpu.memref_squeeze %dma_start3A_129 : memref<1x16xf32, #tpu.memory_space<hbm>> -> memref<16xf32, #tpu.memory_space<hbm>>
      %dma_start3A_131 = arith.constant 0 : i32
      %dma_start3A_132 = tpu.memref_slice %arg4[%run_scoped3A, %dma_start3A_131] : memref<4x10000xf32, #tpu.memory_space<vmem>> -> memref<1x16xf32, #tpu.memory_space<vmem>>
      %dma_start3A_133 = tpu.memref_squeeze %dma_start3A_132 : memref<1x16xf32, #tpu.memory_space<vmem>> -> memref<16xf32, #tpu.memory_space<vmem>>
      tpu.enqueue_dma source(%dma_start3A_133 : memref<16xf32, #tpu.memory_space<vmem>>) target(%dma_start3A_130 : memref<16xf32, #tpu.memory_space<hbm>>) target_semaphore(%run_scoped3A_121 : memref<!tpu.dma_semaphore, #tpu.memory_space<semaphore_mem>>)
      %dma_wait3A_134 = arith.constant 0 : i32
      %dma_wait3A_135 = tpu.memref_slice %arg4[%run_scoped3A, %dma_wait3A_134] : memref<4x10000xf32, #tpu.memory_space<vmem>> -> memref<1x16xf32, #tpu.memory_space<vmem>>
      %dma_wait3A_136 = tpu.memref_squeeze %dma_wait3A_135 : memref<1x16xf32, #tpu.memory_space<vmem>> -> memref<16xf32, #tpu.memory_space<vmem>>
      %dma_wait3A_137 = arith.constant 0 : i32
      %dma_wait3A_138 = tpu.memref_slice %arg3[%add3A, %dma_wait3A_137] : memref<32x16xf32, #tpu.memory_space<hbm>> -> memref<1x16xf32, #tpu.memory_space<hbm>>
      %dma_wait3A_139 = tpu.memref_squeeze %dma_wait3A_138 : memref<1x16xf32, #tpu.memory_space<hbm>> -> memref<16xf32, #tpu.memory_space<hbm>>
      %dma_wait3A_140 = arith.constant 0 : i32
      %dma_wait3A_141 = tpu.memref_slice %arg3[%add3A, %dma_wait3A_140] : memref<32x16xf32, #tpu.memory_space<hbm>> -> memref<1x16xf32, #tpu.memory_space<hbm>>
      %dma_wait3A_142 = tpu.memref_squeeze %dma_wait3A_141 : memref<1x16xf32, #tpu.memory_space<hbm>> -> memref<16xf32, #tpu.memory_space<hbm>>
      %dma_wait3A_143 = arith.constant 0 : i32
      %dma_wait3A_144 = tpu.memref_slice %arg4[%run_scoped3A, %dma_wait3A_143] : memref<4x10000xf32, #tpu.memory_space<vmem>> -> memref<1x16xf32, #tpu.memory_space<vmem>>
      %dma_wait3A_145 = tpu.memref_squeeze %dma_wait3A_144 : memref<1x16xf32, #tpu.memory_space<vmem>> -> memref<16xf32, #tpu.memory_space<vmem>>
      tpu.wait_dma2 semaphore(%run_scoped3A_121 : memref<!tpu.dma_semaphore, #tpu.memory_space<semaphore_mem>>) src(%dma_wait3A_145 : memref<16xf32, #tpu.memory_space<vmem>>) dst(%dma_wait3A_142 : memref<16xf32, #tpu.memory_space<hbm>>)
      tpu.yield
    }) : () -> ()
    return
  }
}

module attributes {stable_mosaic.version = 14 : i64} {
  func.func @_gcn_body(%arg0: i32, %arg1: memref<400x10000xf32, #tpu.memory_space<vmem>>, %arg2: memref<10000x128xf32, #tpu.memory_space<vmem>>, %arg3: memref<128x128xf32, #tpu.memory_space<vmem>>, %arg4: memref<1x128xf32, #tpu.memory_space<vmem>>, %arg5: memref<400x128xf32, #tpu.memory_space<vmem>>) attributes {dimension_semantics = [#tpu.dimension_semantics<parallel>], iteration_bounds = array<i64: 25>, scalar_prefetch = 0 : i64, scratch_operands = 0 : i64, tpu.core_type = #tpu.core_type<tc>, window_params = [{transform_indices = @transform_0, window_bounds = array<i64: 400, 10000>}, {pipeline_mode = #tpu.pipeline_mode<synchronous>, transform_indices = @transform_1, window_bounds = array<i64: 10000, 128>}, {pipeline_mode = #tpu.pipeline_mode<synchronous>, transform_indices = @transform_2, window_bounds = array<i64: 128, 128>}, {pipeline_mode = #tpu.pipeline_mode<synchronous>, transform_indices = @transform_3, window_bounds = array<i64: 1, 128>}, {transform_indices = @transform_4, window_bounds = array<i64: 400, 128>}]} {
    %get3A = arith.constant 0 : index
    %get3A_0 = arith.constant 0 : index
    %get3A_1 = vector.load %arg1[%get3A, %get3A_0] : memref<400x10000xf32, #tpu.memory_space<vmem>>, vector<400x10000xf32>
    %get3A_2 = arith.constant 0 : index
    %get3A_3 = arith.constant 0 : index
    %get3A_4 = vector.load %arg2[%get3A_2, %get3A_3] : memref<10000x128xf32, #tpu.memory_space<vmem>>, vector<10000x128xf32>
    %dot_general3A = arith.constant dense<0.000000e+00> : vector<400x128xf32>
    %dot_general3A_5 = tpu.matmul %get3A_1, %get3A_4, %dot_general3A {dimension_numbers = #tpu.dot_dimension_numbers<[1], [0], [0], [1], [0, 0, 1, 1], [], []>, transpose_lhs_hint = false} : vector<400x10000xf32>, vector<10000x128xf32>, vector<400x128xf32> -> vector<400x128xf32>
    %get3A_6 = arith.constant 0 : index
    %get3A_7 = arith.constant 0 : index
    %get3A_8 = vector.load %arg3[%get3A_6, %get3A_7] : memref<128x128xf32, #tpu.memory_space<vmem>>, vector<128x128xf32>
    %dot_general3A_9 = arith.constant dense<0.000000e+00> : vector<400x128xf32>
    %dot_general3A_10 = tpu.matmul %dot_general3A_5, %get3A_8, %dot_general3A_9 {dimension_numbers = #tpu.dot_dimension_numbers<[1], [0], [0], [1], [0, 0, 1, 1], [], []>, transpose_lhs_hint = false} : vector<400x128xf32>, vector<128x128xf32>, vector<400x128xf32> -> vector<400x128xf32>
    %get3A_11 = arith.constant 0 : index
    %get3A_12 = arith.constant 0 : index
    %get3A_13 = vector.load %arg4[%get3A_11, %get3A_12] : memref<1x128xf32, #tpu.memory_space<vmem>>, vector<1x128xf32>
    %add3A = vector.broadcast %get3A_13 : vector<1x128xf32> to vector<400x128xf32>
    %add3A_14 = arith.addf %dot_general3A_10, %add3A : vector<400x128xf32>
    %swap3A = arith.constant 0 : index
    %swap3A_15 = arith.constant 0 : index
    %swap3A_16 = vector.load %arg5[%swap3A, %swap3A_15] : memref<400x128xf32, #tpu.memory_space<vmem>>, vector<400x128xf32>
    tpu.vector_store %arg5[%swap3A, %swap3A_15], %add3A_14 {strides = array<i32>} : memref<400x128xf32, #tpu.memory_space<vmem>>, vector<400x128xf32>,
    return
  }
  func.func @transform_0(%arg0: i32) -> (i32, i32) {
    %c0_i32 = arith.constant 0 : i32
    %c0_i32_0 = arith.constant 0 : i32
    return %arg0, %c0_i32 : i32, i32
  }
  func.func @transform_1(%arg0: i32) -> (i32, i32) {
    %c0_i32 = arith.constant 0 : i32
    %c0_i32_0 = arith.constant 0 : i32
    %c0_i32_1 = arith.constant 0 : i32
    return %c0_i32, %c0_i32_0 : i32, i32
  }
  func.func @transform_2(%arg0: i32) -> (i32, i32) {
    %c0_i32 = arith.constant 0 : i32
    %c0_i32_0 = arith.constant 0 : i32
    %c0_i32_1 = arith.constant 0 : i32
    return %c0_i32, %c0_i32_0 : i32, i32
  }
  func.func @transform_3(%arg0: i32) -> (i32, i32) {
    %c0_i32 = arith.constant 0 : i32
    %c0_i32_0 = arith.constant 0 : i32
    %c0_i32_1 = arith.constant 0 : i32
    return %c0_i32, %c0_i32_0 : i32, i32
  }
  func.func @transform_4(%arg0: i32) -> (i32, i32) {
    %c0_i32 = arith.constant 0 : i32
    %c0_i32_0 = arith.constant 0 : i32
    return %arg0, %c0_i32 : i32, i32
  }
}

</mosaic_0001>

<sc_bundles>
// kernel: kernel.4.cloned.1.call-start
scs
__scs_entry_jumppad:
0x0: {  	(pc) =	sbr.rel $0x88, $3  }
0x1: {  	(tag) =	ssettag $0x0;
	lr =	simm.s32 $0x1  }
0x2: {  	[smem:$0x3F9D] =	sst lr;
	_ =	strace $0xD0000000  }
0x3: {  	_ = 	snop  }
0x4: {  	_ = 	snop  }
0x5: {  	_ = 	snop  }
0x6: {  	_ = 	snop  }
0x7: {  	_ = 	snop  }
__scs_overlays_trampoline_lowered:
0x8: {  	[smem:$0x3FAC] =	sst s0  }
0x9: {  	[smem:$0x3FAD] =	sst s1  }
0xa: {  	[smem:$0x3FAE] =	sst s2  }
0xb: {  	[smem:$0x3FAF] =	sst s3  }
0xc: {  	[smem:$0x3FB0] =	sst s4  }
0xd: {  	[smem:$0x3FB1] =	sst s5  }
0xe: {  	[smem:$0x3FB2] =	sst s6  }
0xf: {  	[smem:$0x3FB3] =	sst s7  }
0x10: {  	[smem:$0x3FB4] =	sst s8  }
0x11: {  	[smem:$0x3FB5] =	sst s9;
	s0 =	simm.s32 @!p0 $0x0  }
0x12: {  	s1 =	sld [smem:$0x3F9B];
	s0 =	simm.s32 @p0 $0x1  }
0x13: {  	[smem:$0x3FB6] =	sst s0;
	s0 =	simm.s32 @!p1 $0x0  }
0x14: {  	s2 =	sld [smem:$0x3F9A];
	s0 =	simm.s32 @p1 $0x1  }
0x15: {  	[smem:$0x3FB7] =	sst s0;
	s0 =	simm.s32 @!p2 $0x0  }
0x16: {  	s3 =	sld [smem:$0x3FDB];
	s0 =	simm.s32 @p2 $0x1  }
0x17: {  	s4 =	simm.s32 $0x1BF5;
	[smem:$0x3FB9] =	sst s0  }
0x18: {  	s0 =	sld [smem:$0x3F9C];
	_ =	swait.ge [sflag:s4], $0x0  }
0x19: {  	s7 =	sld [smem:$0x3F9D]  }
0x1a: {  	s8 =	sadd.s32 $0xFFFFE003, lr  }
0x1b: {  	s9 =	sadd.s32 $0xFFFFFEF7, lr;
	s5 =	simm.s32 $0xFFFFFFFF;
	p2 =	slt.u32 s8, $0xFFFFF086  }
0x1c: {  	p1 =	slt.u32 s9, $0xF7A;
	s5 =	simm.s32 @!p2 $0x0  }
0x1d: {  	s5 =	simm.s32 @p1 $0x1;
	p0 =	seq.s32 s7, s2  }
0x1e: {  	s7 =	smul.u32 @!p0 $0xF7A, s2;
	p2 =	seq.s32 @!p0 s5, $0x0  }
0x1f: {  	s9 =	smul.u32 $0xF7A, s1;
	s8 =	simm.s32 @!p0 $0x1BF5;
	p2 =	por !p2, p0  }
0x20: {  	[sflag:s8] =	ssyncset.s32 @!p0 $0xFFFFF086;
	s6 =	sadd.s32 @!p0 s3, s7;
	s7 =	simm.s32 @!p0 $0x108  }
0x21: {  	s3 =	sadd.s32 s3, s9;
	s6 =	sadd.s32 @!p0 $0x88, s6;
	s7 =	simm.s32 @p2 $0x1082  }
0x22: {  	[simem:s7], [sflag:s8] =	dma.local @!p0 [hbm:s6], $0xF7A  }
0x23: {  	s9 =	sor.u32 $0xD0000000, s2;
	s6 =	simm.s32 $0x108;
	_ =	swait.ge @!p0 [sflag:s8], $0x0  }
0x24: {  	s3 =	sadd.s32 $0x88, s3;
	s6 =	simm.s32 @!p1 $0x1082;
	[sflag:s4] =	ssyncset.s32 $0xFFFFF086  }
0x25: {  	[simem:s6], [sflag:s4] =	dma.local [hbm:s3], $0xF7A  }
0x26: {  	[smem:$0x3F9D] =	sst s1;
	(tag) =	ssettag s2;
	_ =	strace s9  }
0x27: {  	s1 =	sld [smem:$0x3FAD]  }
0x28: {  	s2 =	sld [smem:$0x3FAE]  }
0x29: {  	s4 =	sld [smem:$0x3FB0]  }
0x2a: {  	p0 =	seq.s32 s5, $0x0;
	s5 =	sld [smem:$0x3FB1]  }
0x2b: {  	s6 =	sld [smem:$0x3FB2]  }
0x2c: {  	s7 =	sld [smem:$0x3FB3]  }
0x2d: {  	s3 =	simm.s32 $0x108;
	s8 =	sld [smem:$0x3FB4]  }
0x2e: {  	s3 =	simm.s32 @!p0 $0x1082;
	s9 =	sld [smem:$0x3FB5]  }
0x2f: {  	lr =	sadd.s32 s0, s3;
	s0 =	sld [smem:$0x3FAC]  }
0x30: {  	s3 =	sld [smem:$0x3FAF]  }
0x31: {  	[smem:$0x3FB8] =	sst s10  }
0x32: {  	s10 =	sld [smem:$0x3FB6];
	_ =	sdelay $0x3  }
0x33: {  	p0 =	seq.s32 s10, $0x1;
	s10 =	sld [smem:$0x3FB8];
	_ =	sdelay $0x3  }
0x34: {  	[smem:$0x3FB8] =	sst s10  }
0x35: {  	s10 =	sld [smem:$0x3FB7];
	_ =	sdelay $0x3  }
0x36: {  	p1 =	seq.s32 s10, $0x1;
	s10 =	sld [smem:$0x3FB8];
	_ =	sdelay $0x3  }
0x37: {  	[smem:$0x3FB8] =	sst s10  }
0x38: {  	s10 =	sld [smem:$0x3FB9]  }
0x39: {  	_ = 	snop;
	(pc) =	sbr.ind lr, $3  }
0x3a: {  	_ = 	snop  }
0x3b: {  	_ = 	snop  }
0x3c: {  	p2 =	seq.s32 s10, $0x1;
	s10 =	sld [smem:$0x3FB8]  }
0x3d: {  	_ =	shalt  }
0x3e: {  	_ =	shalt  }
0x3f: {  	_ =	shalt  }
0x40: {  	_ =	shalt  }
0x41: {  	_ =	shalt  }
0x42: {  	_ =	shalt  }
0x43: {  	_ =	shalt  }
0x44: {  	_ =	shalt  }
0x45: {  	_ =	shalt  }
0x46: {  	_ =	shalt  }
0x47: {  	_ =	shalt  }
0x48: {  	_ =	shalt  }
0x49: {  	_ =	shalt  }
0x4a: {  	_ =	shalt  }
0x4b: {  	_ =	shalt  }
0x4c: {  	_ =	shalt  }
0x4d: {  	_ =	shalt  }
0x4e: {  	_ =	shalt  }
0x4f: {  	_ =	shalt  }
0x50: {  	_ =	shalt  }
0x51: {  	_ =	shalt  }
0x52: {  	_ =	shalt  }
0x53: {  	_ =	shalt  }
0x54: {  	_ =	shalt  }
0x55: {  	_ =	shalt  }
0x56: {  	_ =	shalt  }
0x57: {  	_ =	shalt  }
0x58: {  	_ =	shalt  }
0x59: {  	_ =	shalt  }
0x5a: {  	_ =	shalt  }
0x5b: {  	_ =	shalt  }
0x5c: {  	_ =	shalt  }
0x5d: {  	_ =	shalt  }
0x5e: {  	_ =	shalt  }
0x5f: {  	_ =	shalt  }
0x60: {  	_ =	shalt  }
0x61: {  	_ =	shalt  }
0x62: {  	_ =	shalt  }
0x63: {  	_ =	shalt  }
0x64: {  	_ =	shalt  }
0x65: {  	_ =	shalt  }
0x66: {  	_ =	shalt  }
0x67: {  	_ =	shalt  }
0x68: {  	_ =	shalt  }
0x69: {  	_ =	shalt  }
0x6a: {  	_ =	shalt  }
0x6b: {  	_ =	shalt  }
0x6c: {  	_ =	shalt  }
0x6d: {  	_ =	shalt  }
0x6e: {  	_ =	shalt  }
0x6f: {  	_ =	shalt  }
0x70: {  	_ =	shalt  }
0x71: {  	_ =	shalt  }
0x72: {  	_ =	shalt  }
0x73: {  	_ =	shalt  }
0x74: {  	_ =	shalt  }
0x75: {  	_ =	shalt  }
0x76: {  	_ =	shalt  }
0x77: {  	_ =	shalt  }
0x78: {  	_ =	shalt  }
0x79: {  	_ =	shalt  }
0x7a: {  	_ =	shalt  }
0x7b: {  	_ =	shalt  }
0x7c: {  	_ =	shalt  }
0x7d: {  	_ =	shalt  }
0x7e: {  	_ =	shalt  }
0x7f: {  	_ =	shalt  }
0x80: {  	_ =	shalt  }
0x81: {  	_ =	shalt  }
0x82: {  	_ =	shalt  }
0x83: {  	_ =	shalt  }
0x84: {  	_ =	shalt  }
0x85: {  	_ =	shalt  }
0x86: {  	_ =	shalt  }
0x87: {  	_ =	shalt  }
.Lfunc_end0:
.L_simem_size_0:
called_computation_lowered:
.L_overlay_start_0:
0x88: {  	s2 =	sld [smem:$0x3FD9]  }
0x89: {  	s3 =	sld [smem:$0x3FFE];
	_ =	sdelay $0x1  }
0x8a: {  	s1 =	srdreg.scid  }
0x8b: {  	s0 =	sand.u32 $0x1, s1  }
0x8c: {  	s17 =	sshll.u32 s0, $0xA;
	s2 =	sadd.s32 s3, s2  }
0x8d: {  	s2 =	sadd.s32 s2, s17  }
0x8e: {  	[smem:$0x3FC4] =	sst s2  }
0x8f: {  	_ = 	snop  }
0x90: {  	s2 =	sld [smem:$0x3FC8];
	(tm) =	ssettm $0x1  }
0x91: {  	s18 =	sld [smem:$0x3FFB];
	_ =	sdelay $0x3  }
0x92: {  	_ =	strace s18  }
0x93: {  	s3 =	sld [smem:$0x3FFC];
	_ =	sdelay $0x3  }
0x94: {  	_ =	strace s3  }
0x95: {  	s3 =	sld [smem:$0x3FFD];
	_ =	sdelay $0x3  }
0x96: {  	_ =	strace s3  }
0x97: {  	_ =	strace $0x8FFFFFFF  }
0x98: {  	s19 =	sld [smem:$0x3FDB];
	_ =	sdelay $0x1  }
0x99: {  	s4 =	simm.s32 $_scs_section_size  }
0x9a: {  	s5 =	simm.s32 $_size__tile_overlayer_lowered;
	s6 =	simm.s32 $_tile_overlayer_lowered  }
0x9b: {  	s22 =	simm.s32 $0x1BFF;
	s21 =	sshll.u32 s6, $0x1;
	s3 =	sadd.s32 s4, s19  }
0x9c: {  	s7 =	simm.s32 $0x0;
	s20 =	sshll.u32 s5, $0x1;
	s5 =	sadd.s32 s21, s3  }
0x9d: {  	[timem:s7], [sflag:s22] =	dma.local [hbm:s5], s20  }
0x9e: {  	_ =	swait.ge [sflag:s22], s20  }
0x9f: {  	s4 =	ssub.s32 $0x0, s20;
	[sflag:s22] =	ssyncset.done $0x0  }
0xa0: {  	[sflag:s22] =	ssyncadd.s32 s4;
	_ =	sdelay $0x1  }
0xa1: {  	s23 =	simm.s32 $0x1B8B  }
0xa2: {  	_ =	swait.ge [sflag:s23], $0x1  }
0xa3: {  	[sflag:s23] =	ssyncset.done $0x0  }
0xa4: {  	s25 =	simm.s32 $0x1B8E;
	s24 =	sld [smem:$0x3FFE];
	[sflag:s23] =	ssyncadd.s32 $0xFFFFFFFF  }
0xa5: {  	s26 =	simm.s32 $execute0_lowered;
	[smem:$0x3FD2] =	sst s25  }
0xa6: {  	s5 =	sshll.u32 s26, $0x1;
	_ =	strace $0x80000046;
	[dreg:$0x1] =	wrdreg $0xFFFFFFFF  }
0xa7: {  	s28 =	simm.s32 $_size_execute0_lowered;
	s3 =	sadd.s32 s3, s5;
	[dreg:$0x0] =	wrdreg $0x0  }
0xa8: {  	s5 =	sshll.u32 s28, $0x1;
	[dreg:$0x2] =	wrdreg s3  }
0xa9: {  	[dreg:$0x3] =	wrdreg s5  }
0xaa: {  	[dreg:$0x4] =	wrdreg $0xC0  }
0xab: {  	_ =	task [dreg:s7], $0x5FFFF  }
0xac: {  	[dreg:$0x1] =	wrdreg $0xFFFFFFFF  }
0xad: {  	[dreg:$0x0] =	wrdreg $0x60  }
0xae: {  	[dreg:$0x2] =	wrdreg s2  }
0xaf: {  	[dreg:$0x3] =	wrdreg s24  }
0xb0: {  	[dreg:$0x4] =	wrdreg $0x9  }
0xb1: {  	_ =	task.clear_ibuf [dreg:s7], $0x5FFFF;
	_ =	strace $0x90000046  }
0xb2: {  	s29 =	simm.s32 $0x9;
	_ =	strace $0x80000048  }
0xb3: {  	_ =	swait.ge [sflag:s29], $0x1  }
0xb4: {  	[sflag:s29] =	ssyncadd.s32 $0xFFFFFFFF  }
0xb5: {  	_ =	strace $0x90000048  }
0xb6: {  	_ =	sfence  }
0xb7: {  	s30 =	sld [smem:$0x0];
	_ =	sdelay $0x2  }
0xb8: {  	s31 =	sshll.u32 s1, $0xD;
	s1 =	sshrl.u32 s1, $0x2  }
0xb9: {  	s3 =	sand.u32 $0x4000, s31;
	s1 =	sadd.s32 s1, s30  }
0xba: {  	s0 =	sor.u32 s3, s0;
	s1 =	sshll.u32 s1, $0x11  }
0xbb: {  	s0 =	sor.u32 s1, s0  }
0xbc: {  	s0 =	sadd.s32 $0x8F2B, s0  }
0xbd: {  	[sflag:s0] =	ssyncadd.remote.s32 $0x1  }
0xbe: {  	_ =	sfence.sel $0xFFFF  }
0xbf: {  	[dreg:$0x0] =	wrdreg $0xFFFFFFFF;
	(pc) =	sbr.abs _section_cstart, $3  }
0xc0: {  	[dreg:$0x1] =	wrdreg $0xFFFFFFFF  }
0xc1: {  	_ =	task.clear_ibuf [dreg:s7], $0x2FFFF;
	_ =	strace $0x9FFFFFFF  }
0xc2: {  	(tm) =	ssettm $0x7FFFFFFF  }
0xc3: {  	_ =	shalt  }
tec
execute0_lowered:
.L_overlay_start_1:
0x0: {  	(tag) =	ssettag $0x1  }
0x1: {  	s1 =	srdreg.scid;
	s0 =	stileid.u32  }
0x2: {  	s19 =	sand.u32 $0x1, s1;
	s28 =	sshll.u32 s0, $0x1  }
0x3: {  	s20 =	sor.u32 s19, s28  }
0x4: {  	s16 =	rddreg [dreg:$0x0];
	s13 =	smul.u32 $0x28, s20  }
0x5: {  	s18 =	rddreg [dreg:$0x1]  }
0x6: {  	s2 =	simm.s32 $0x0;
	s5 =	simm.s32 $0x200;
	s3 =	sshrl.u32 s13, $0x3  }
0x7: {  	s6 =	simm.s32 $0x400;
	s1 =	rddreg [dreg:$0x2];
	s17 =	smul.u32 $0x2780, s3  }
0x8: {  	s8 =	simm.s32 $0x1;
	[smem:$0x7FF] =	sst s2;
	s21 =	sadd.s32 $0x40, s16  }
0x9: {  	_ =	strace $0x80000047;
	s7 =	sadd.s32 $0x8, s13;
	s3 =	sadd.s32 s16, s17  }
0xa: {  	[tilespmem:s2], [sflag:$0x1] =	stream.strided.gather [hbm4b:s3+s5], $0x9E00, s6, s5, $0x38;
	[tilespmem:$0x13C00] =	vst v63  }
0xb: {  	s9 =	sshrl.u32 s7, $0x3;
	s7 =	simm.s32 $0x9E00;
	s4 =	sadd.s32 s17, s21  }
0xc: {  	[tilespmem:s7], [sflag:$0x2] =	stream.strided.gather [hbm4b:s4+s5], $0x9E00, s6, s5, $0x38;
	[tilespmem:$0x13C00] =	vst v63  }
0xd: {  	s11 =	smul.u32 $0x2780, s9;
	_ =	swait.ge [sflag:s8], $0x9E00  }
0xe: {  	[sflag:s8] =	ssyncset.done $0x0  }
0xf: {  	s10 =	simm.s32 $0x2;
	s9 =	sadd.s32 s16, s11;
	[sflag:s8] =	ssyncadd.s32 $0xFFFF6200  }
0x10: {  	[tilespmem:s2], [sflag:$0x1] =	stream.strided.gather [hbm4b:s9+s5], $0x9E00, s6, s5, $0x38;
	[tilespmem:$0x13C00] =	vst v63  }
0x11: {  	_ =	swait.ge [sflag:s10], $0x9E00  }
0x12: {  	[sflag:s10] =	ssyncset.done $0x0  }
0x13: {  	s11 =	sadd.s32 s11, s21;
	[sflag:s10] =	ssyncadd.s32 $0xFFFF6200  }
0x14: {  	[tilespmem:s7], [sflag:$0x2] =	stream.strided.gather [hbm4b:s11+s5], $0x9E00, s6, s5, $0x38;
	[tilespmem:$0x13C00] =	vst v63  }
0x15: {  	_ =	swait.ge [sflag:s8], $0x9E00  }
0x16: {  	s14 =	sadd.s32 $0x4F00, s17;
	[sflag:s8] =	ssyncset.done $0x0  }
0x17: {  	s12 =	sadd.s32 s16, s14;
	[sflag:s8] =	ssyncadd.s32 $0xFFFF6200  }
0x18: {  	[tilespmem:s2], [sflag:$0x1] =	stream.strided.gather [hbm4b:s12+s5], $0x9E00, s6, s5, $0x38;
	[tilespmem:$0x13C00] =	vst v63  }
0x19: {  	_ =	swait.ge [sflag:s10], $0x9E00  }
0x1a: {  	s15 =	sadd.s32 $0x18, s13;
	[sflag:s10] =	ssyncset.done $0x0  }
0x1b: {  	s29 =	sshrl.u32 s15, $0x3;
	s13 =	sadd.s32 s14, s21;
	[sflag:s10] =	ssyncadd.s32 $0xFFFF6200  }
0x1c: {  	[tilespmem:s7], [sflag:$0x2] =	stream.strided.gather [hbm4b:s13+s5], $0x9E00, s6, s5, $0x38;
	[tilespmem:$0x13C00] =	vst v63  }
0x1d: {  	s15 =	smul.u32 $0x2780, s29;
	_ =	swait.ge [sflag:s8], $0x9E00  }
0x1e: {  	[sflag:s8] =	ssyncset.done $0x0  }
0x1f: {  	s14 =	sadd.s32 s16, s15;
	[sflag:s8] =	ssyncadd.s32 $0xFFFF6200  }
0x20: {  	[tilespmem:s2], [sflag:$0x1] =	stream.strided.gather [hbm4b:s14+s5], $0x9E00, s6, s5, $0x38;
	[tilespmem:$0x13C00] =	vst v63  }
0x21: {  	_ =	swait.ge [sflag:s10], $0x9E00  }
0x22: {  	[sflag:s10] =	ssyncset.done $0x0  }
0x23: {  	s15 =	sadd.s32 s15, s21;
	[sflag:s10] =	ssyncadd.s32 $0xFFFF6200  }
0x24: {  	[tilespmem:s7], [sflag:$0x2] =	stream.strided.gather [hbm4b:s15+s5], $0x9E00, s6, s5, $0x38;
	[tilespmem:$0x13C00] =	vst v63  }
0x25: {  	_ =	swait.ge [sflag:s8], $0x9E00  }
0x26: {  	s17 =	sadd.s32 $0x9E00, s17;
	[sflag:s8] =	ssyncset.done $0x0  }
0x27: {  	s16 =	sadd.s32 s16, s17;
	[sflag:s8] =	ssyncadd.s32 $0xFFFF6200  }
0x28: {  	[tilespmem:s2], [sflag:$0x1] =	stream.strided.gather [hbm4b:s16+s5], $0x9E00, s6, s5, $0x38;
	[tilespmem:$0x13C00] =	vst v63  }
0x29: {  	_ =	swait.ge [sflag:s10], $0x9E00  }
0x2a: {  	[sflag:s10] =	ssyncset.done $0x0  }
0x2b: {  	s17 =	sadd.s32 s17, s21;
	[sflag:s10] =	ssyncadd.s32 $0xFFFF6200  }
0x2c: {  	[tilespmem:s7], [sflag:$0x2] =	stream.strided.gather [hbm4b:s17+s5], $0x9E00, s6, s5, $0x38;
	[tilespmem:$0x13C00] =	vst v63  }
0x2d: {  	_ =	swait.ge [sflag:s8], $0x9E00  }
0x2e: {  	s19 =	ssub.s32 $0x2, s19;
	[sflag:s8] =	ssyncset.done $0x0  }
0x2f: {  	s20 =	sshll.u32 s20, $0x4;
	s30 =	sshrl.u32 s19, $0x1;
	[sflag:s8] =	ssyncadd.s32 $0xFFFF6200  }
0x30: {  	s18 =	sadd.s32 s20, s18;
	s31 =	ssub.s32 s19, s30;
	_ =	swait.ge [sflag:s10], $0x9E00  }
0x31: {  	s19 =	simm.s32 $0x80;
	s21 =	smax.u32 s31, $0x1;
	[sflag:s10] =	ssyncset.done $0x0  }
0x32: {  	s18 =	sadd.s32 $0xA00, s18;
	p0 =	sne.s32 s21, $0x1;
	[sflag:s10] =	ssyncadd.s32 $0xFFFF6200  }
0x33: {  	[hbm4b:s18+s19] =	stream.strided.scatter [tilespmem:s2], [sflag:$0x3], $0x0, s6, s19, $0x38;
	[tilespmem:$0x13C00] =	vst v63  }
.Ltmp0:
0x34: {  	_ = 	snop;
	(pc) =	sbr.rel @!p0 .LBB2_2-.Ltmp0, $4  }
0x35: {  	s20 =	simm.s32 $0x3  }
0x36: {  	[hbm4b:s18+s2] =	stream.linear.scatter [tilespmem:s2], [sflag:$0x3], $0x10, $0x38;
	[tilespmem:$0x13C00] =	vst v63  }
0x37: {  	_ =	swait.ge [sflag:s20], $0x10  }
0x38: {  	s21 =	sadd.s32 $0xFFFFFFFF, s21;
	[sflag:s20] =	ssyncset.done $0x0  }
.LBB2_1:
0x39: {  	p0 =	sne.s32 s21, $0x1;
	s21 =	sadd.s32 $0xFFFFFFFF, s21;
	[sflag:s20] =	ssyncadd.s32 $0xFFFFFFF0  }
0x3a: {  	_ = 	snop  }
0x3b: {  	[tilespmem:s2], [sflag:$0x1] =	stream.strided.gather [hbm4b:s3+s5], $0x9E00, s6, s5, $0x38;
	[tilespmem:$0x13C00] =	vst v63  }
0x3c: {  	_ = 	snop  }
0x3d: {  	[tilespmem:s7], [sflag:$0x2] =	stream.strided.gather [hbm4b:s4+s5], $0x9E00, s6, s5, $0x38;
	[tilespmem:$0x13C00] =	vst v63  }
0x3e: {  	_ =	swait.ge [sflag:s8], $0x9E00  }
0x3f: {  	[sflag:s8] =	ssyncset.done $0x0  }
0x40: {  	[sflag:s8] =	ssyncadd.s32 $0xFFFF6200  }
0x41: {  	[tilespmem:s2], [sflag:$0x1] =	stream.strided.gather [hbm4b:s9+s5], $0x9E00, s6, s5, $0x38;
	[tilespmem:$0x13C00] =	vst v63  }
0x42: {  	_ =	swait.ge [sflag:s10], $0x9E00  }
0x43: {  	[sflag:s10] =	ssyncset.done $0x0  }
0x44: {  	[sflag:s10] =	ssyncadd.s32 $0xFFFF6200  }
0x45: {  	[tilespmem:s7], [sflag:$0x2] =	stream.strided.gather [hbm4b:s11+s5], $0x9E00, s6, s5, $0x38;
	[tilespmem:$0x13C00] =	vst v63  }
0x46: {  	_ =	swait.ge [sflag:s8], $0x9E00  }
0x47: {  	[sflag:s8] =	ssyncset.done $0x0  }
0x48: {  	[sflag:s8] =	ssyncadd.s32 $0xFFFF6200  }
0x49: {  	[tilespmem:s2], [sflag:$0x1] =	stream.strided.gather [hbm4b:s12+s5], $0x9E00, s6, s5, $0x38;
	[tilespmem:$0x13C00] =	vst v63  }
0x4a: {  	_ =	swait.ge [sflag:s10], $0x9E00  }
0x4b: {  	[sflag:s10] =	ssyncset.done $0x0  }
0x4c: {  	[sflag:s10] =	ssyncadd.s32 $0xFFFF6200  }
0x4d: {  	[tilespmem:s7], [sflag:$0x2] =	stream.strided.gather [hbm4b:s13+s5], $0x9E00, s6, s5, $0x38;
	[tilespmem:$0x13C00] =	vst v63  }
0x4e: {  	_ =	swait.ge [sflag:s8], $0x9E00  }
0x4f: {  	[sflag:s8] =	ssyncset.done $0x0  }
0x50: {  	[sflag:s8] =	ssyncadd.s32 $0xFFFF6200  }
0x51: {  	[tilespmem:s2], [sflag:$0x1] =	stream.strided.gather [hbm4b:s14+s5], $0x9E00, s6, s5, $0x38;
	[tilespmem:$0x13C00] =	vst v63  }
0x52: {  	_ =	swait.ge [sflag:s10], $0x9E00  }
0x53: {  	[sflag:s10] =	ssyncset.done $0x0  }
0x54: {  	[sflag:s10] =	ssyncadd.s32 $0xFFFF6200  }
0x55: {  	[tilespmem:s7], [sflag:$0x2] =	stream.strided.gather [hbm4b:s15+s5], $0x9E00, s6, s5, $0x38;
	[tilespmem:$0x13C00] =	vst v63  }
0x56: {  	_ =	swait.ge [sflag:s8], $0x9E00  }
0x57: {  	[sflag:s8] =	ssyncset.done $0x0  }
0x58: {  	[sflag:s8] =	ssyncadd.s32 $0xFFFF6200  }
0x59: {  	[tilespmem:s2], [sflag:$0x1] =	stream.strided.gather [hbm4b:s16+s5], $0x9E00, s6, s5, $0x38;
	[tilespmem:$0x13C00] =	vst v63  }
0x5a: {  	_ =	swait.ge [sflag:s10], $0x9E00  }
0x5b: {  	[sflag:s10] =	ssyncset.done $0x0  }
0x5c: {  	[sflag:s10] =	ssyncadd.s32 $0xFFFF6200  }
0x5d: {  	[tilespmem:s7], [sflag:$0x2] =	stream.strided.gather [hbm4b:s17+s5], $0x9E00, s6, s5, $0x38;
	[tilespmem:$0x13C00] =	vst v63  }
0x5e: {  	_ =	swait.ge [sflag:s8], $0x9E00  }
0x5f: {  	[sflag:s8] =	ssyncset.done $0x0  }
0x60: {  	[sflag:s8] =	ssyncadd.s32 $0xFFFF6200  }
0x61: {  	_ =	swait.ge [sflag:s10], $0x9E00  }
0x62: {  	[sflag:s10] =	ssyncset.done $0x0  }
0x63: {  	[sflag:s10] =	ssyncadd.s32 $0xFFFF6200  }
0x64: {  	[hbm4b:s18+s19] =	stream.strided.scatter [tilespmem:s2], [sflag:$0x3], $0x0, s6, s19, $0x38;
	[tilespmem:$0x13C00] =	vst v63  }
.Ltmp1:
0x65: {  	_ = 	snop;
	(pc) =	sbr.rel @p0 .LBB2_1-.Ltmp1, $4  }
0x66: {  	_ = 	snop  }
0x67: {  	[hbm4b:s18+s2] =	stream.linear.scatter [tilespmem:s2], [sflag:$0x3], $0x10, $0x38;
	[tilespmem:$0x13C00] =	vst v63  }
0x68: {  	_ =	swait.ge [sflag:s20], $0x10  }
0x69: {  	[sflag:s20] =	ssyncset.done $0x0  }
.LBB2_2:
0x6a: {  	[sflag:s20] =	ssyncadd.s32 $0xFFFFFFF0  }
0x6b: {  	_ =	sfence.sel $0x180000  }
0x6c: {  	[bflag:$0x0] =	sbarrier.arrive $0xFFFF  }
0x6d: {  	p0 =	sne.s32 s0, $0x0;
	_ =	strace $0x90000047  }
0x6e: {  	s0 =	sadd.s32 @!p0 $0x100000, s1;
	[bflag:$0x2] =	sbarrier.arrive $0xFFFF  }
0x6f: {  	[sflag:s0] =	ssyncadd.tile.s32 @!p0 $0x1;
	_ =	shalt  }
.Lfunc_end2:
_tile_overlayer_lowered:
.L_overlay_start_2:
0x70: {  	(tag) =	ssettag $0x2  }
0x71: {  	s0 =	rddreg [dreg:$0x0];
	s2 =	stileid.u32  }
0x72: {  	s1 =	rddreg [dreg:$0x1];
	p0 =	sne.s32 s2, $0x0  }
0x73: {  	s3 =	rddreg [dreg:$0x2];
	[bflag:$0x3] =	sbarrier.arrive $0xFFFF;
	s2 =	simm.s32 @!p0 $0x1C03  }
0x74: {  	[timem:s3], [sflag:s2] =	dma.local @!p0 [hbm:s0], s1  }
0x75: {  	s0 =	simm.s32 @!p0 $0x3  }
0x76: {  	_ =	swait.ge @!p0 [sflag:s0], s1  }
0x77: {  	s1 =	ssub.s32 @!p0 $0x0, s1;
	[sflag:s0] =	ssyncset.done @!p0 $0x0  }
0x78: {  	[sflag:s0] =	ssyncadd.s32 @!p0 s1  }
0x79: {  	[bflag:$0x3] =	sbarrier.arrive $0xFFFF  }
0x7a: {  	_ =	shalt  }

</sc_bundles>
